<compile_context>
chip_gen: v7x
topology: tpu7x:2x2x1
jax: 0.10.2.dev20260603
libtpu: 0.0.44.dev20260713+nightly
codegen_flags: <defaults>
</compile_context>

<pallas_src>
import functools

import jax
import jax.numpy as jnp
import numpy as np
from jax import lax
from jax.experimental import pallas as pl
from jax.experimental.pallas import tpu as pltpu
from jax.experimental.pallas import tpu_sc as plsc

N, D = 16384, 100
NC, NS = 2, 16
NW = NC * NS
NG = N // 16
UNROLL = 8
NCOL1 = 96
TAIL = N // 8
BL = 2048


def _threefry2x32(k1, k2, x1, x2):
    rotations = [(13, 15, 26, 6), (17, 29, 16, 24)]
    ks = [np.uint32(k1), np.uint32(k2),
          np.uint32(np.uint32(k1) ^ np.uint32(k2) ^ np.uint32(0x1BD11BDA))]

    def rotl(v, d):
        return (v << np.uint32(d)) | (v >> np.uint32(32 - d))

    x1 = (x1 + ks[0]).astype(np.uint32)
    x2 = (x2 + ks[1]).astype(np.uint32)
    for r in range(5):
        for d in rotations[r % 2]:
            x1 = (x1 + x2).astype(np.uint32)
            x2 = rotl(x2, d)
            x2 = x1 ^ x2
        x1 = (x1 + ks[(r + 1) % 3]).astype(np.uint32)
        x2 = (x2 + ks[(r + 2) % 3] + np.uint32(r + 1)).astype(np.uint32)
    return x1, x2


def _random_bits(keypair, n):
    k1, k2 = keypair
    b1, b2 = _threefry2x32(k1, k2, np.zeros(n, dtype=np.uint32),
                           np.arange(n, dtype=np.uint32))
    return b1 ^ b2


def _split(keypair):
    b1, b2 = _threefry2x32(*keypair, np.zeros(2, dtype=np.uint32),
                           np.arange(2, dtype=np.uint32))
    return (b1[0], b2[0]), (b1[1], b2[1])


@functools.lru_cache(maxsize=1)
def _rng_consts():
    kb, kp = _split((np.uint32(0), np.uint32(42)))
    bits = _random_bits(kb, N * D)
    u = ((bits >> np.uint32(9)) | np.uint32(0x3F800000)).view(np.float32)
    u = (u - np.float32(1.0)).reshape(N, D)
    perm = np.arange(N, dtype=np.int32)
    num_rounds = int(np.ceil(3 * np.log(N) / np.log(2.0**32 - 1)))
    key = kp
    for _ in range(num_rounds):
        key, subkey = _split(key)
        sort_keys = _random_bits(subkey, N)
        perm = perm[np.argsort(sort_keys, kind="stable")]
    return np.ascontiguousarray(u.T), perm


def _sc_gather_body(xt_hbm, perm_hbm, out_hbm, perm_v,
                    xc0_v, xc1_v, og0_v, og1_v,
                    si0, si1, so0, so1):
    wid = lax.axis_index("s") * NC + lax.axis_index("c")
    j2 = NCOL1 + (wid >> 3)
    rlo = (wid & 7) * TAIL
    cols = [wid * (NCOL1 // NW) + t for t in range(NCOL1 // NW)] + [j2]
    xc = [xc0_v, xc1_v]
    og = [og0_v, og1_v]
    sin = [si0, si1]
    sout = [so0, so1]

    in_h = {0: pltpu.async_copy(xt_hbm.at[cols[0]], xc[0], sin[0])}
    pltpu.sync_copy(perm_hbm, perm_v)
    out_h = {}
    ntask = len(cols)
    for t in range(ntask):
        b = t % 2
        in_h.pop(t).wait()
        if t + 1 < ntask:
            in_h[t + 1] = pltpu.async_copy(xt_hbm.at[cols[t + 1]],
                                           xc[(t + 1) % 2], sin[(t + 1) % 2])
        if t >= 2:
            out_h.pop(t - 2).wait()
        xc_v = xc[b]
        og_v = og[b]
        if t < ntask - 1:
            @plsc.parallel_loop(0, NG, unroll=UNROLL)
            def _(g):
                f0 = g * 16
                idx = perm_v[pl.ds(f0, 16)]
                og_v[pl.ds(f0, 16)] = plsc.load_gather(xc_v, [idx])

            out_h[t] = pltpu.async_copy(og_v, out_hbm.at[cols[t]], sout[b])
        else:
            @plsc.parallel_loop(0, TAIL // 16, unroll=UNROLL)
            def _(g):
                f0 = g * 16
                idx = perm_v[pl.ds(rlo + f0, 16)]
                og_v[pl.ds(f0, 16)] = plsc.load_gather(xc_v, [idx])

            out_h[t] = pltpu.async_copy(og_v.at[pl.ds(0, TAIL)],
                                        out_hbm.at[j2, pl.ds(rlo, TAIL)],
                                        sout[b])
    for h in out_h.values():
        h.wait()


def _tc_select_body(u_ref, p_ref, xg_ref, xo_ref, o_ref):
    mask = u_ref[...] < p_ref[...][None, :]
    o_ref[...] = jnp.where(mask, xg_ref[...], xo_ref[...])


def kernel(x, p):
    ut, perm = _rng_consts()
    xt = x.T
    mesh = plsc.VectorSubcoreMesh(core_axis_name="c", subcore_axis_name="s",
                                  num_cores=NC, num_subcores=NS)
    gather_run = pl.kernel(
        _sc_gather_body,
        out_type=jax.ShapeDtypeStruct((D, N), jnp.float32),
        mesh=mesh,
        scratch_types=[
            pltpu.VMEM((N,), jnp.int32),
            pltpu.VMEM((N,), jnp.float32),
            pltpu.VMEM((N,), jnp.float32),
            pltpu.VMEM((N,), jnp.float32),
            pltpu.VMEM((N,), jnp.float32),
            pltpu.SemaphoreType.DMA,
            pltpu.SemaphoreType.DMA,
            pltpu.SemaphoreType.DMA,
            pltpu.SemaphoreType.DMA,
        ],
        compiler_params=pltpu.CompilerParams(
            use_tc_tiling_on_sc=True, needs_layout_passes=False),
    )
    xg_t = gather_run(xt, jnp.asarray(perm))

    out_t = pl.pallas_call(
        _tc_select_body,
        out_shape=jax.ShapeDtypeStruct((D, N), jnp.float32),
        grid=(N // BL,),
        in_specs=[
            pl.BlockSpec((D, BL), lambda i: (0, i)),
            pl.BlockSpec((BL,), lambda i: (i,)),
            pl.BlockSpec((D, BL), lambda i: (0, i)),
            pl.BlockSpec((D, BL), lambda i: (0, i)),
        ],
        out_specs=pl.BlockSpec((D, BL), lambda i: (0, i)),
        input_output_aliases={2: 0},
    )(jnp.asarray(ut), p, xg_t, xt)
    return out_t.T

# --- scband reference (transcript-rebuilt; emitter-appended) ---
"""Pipeline reference for scband-batch-swap-noise-21749714387637 (READ-ONLY COPY).

The authoritative reference and input builder live on the scoring server;
editing this copy changes nothing except your own understanding.
"""

import jax, jax.numpy as jnp
import numpy as np


def setup_inputs(seed: int = 0) -> dict:
    key = jax.random.key(seed)
    k1, k2 = jax.random.split(key)
    x = jax.random.normal(k1, (16384, 100), dtype=jnp.float32)
    p = jax.random.uniform(k2, (16384,), dtype=jnp.float32)
    return {"x": x, "p": p}


def reference(x, p):
    # BatchSwapNoise.forward: corrupt mask ~ Bernoulli(p per-row broadcast),
    # swap corrupted entries with entries from a random batch permutation.
    key = jax.random.key(42)
    kb, kp = jax.random.split(key)
    probs = jnp.ones(x.shape, dtype=x.dtype) * p[:, None]
    corrupt = jax.random.bernoulli(kb, probs)
    perm = jax.random.permutation(kp, x.shape[0])
    x_perm = jnp.take(x, perm, axis=0)
    noised = jnp.where(corrupt, x_perm, x)
    return noised

if __name__ == "__main__":
    import jax
    _d = setup_inputs()
    print(jax.jit(kernel)(*tuple(_d.values())))

</pallas_src>

<mosaic_0001>
#map = affine_map<(d0, d1) -> (0, 0)>
#map1 = affine_map<(d0, d1) -> (0)>
module attributes {stable_mosaic.version = 14 : i64} {
  func.func @_sc_gather_body(%arg0: i32, %arg1: i32, %arg2: memref<100x16384xf32, #tpu.memory_space<hbm>>, %arg3: memref<16384xi32, #tpu.memory_space<hbm>>, %arg4: memref<100x16384xf32, #tpu.memory_space<hbm>>, %arg5: memref<16384xi32, #tpu.memory_space<vmem>>, %arg6: memref<16384xf32, #tpu.memory_space<vmem>>, %arg7: memref<16384xf32, #tpu.memory_space<vmem>>, %arg8: memref<16384xf32, #tpu.memory_space<vmem>>, %arg9: memref<16384xf32, #tpu.memory_space<vmem>>, %arg10: memref<!tpu.dma_semaphore, #tpu.memory_space<semaphore_mem>>, %arg11: memref<!tpu.dma_semaphore, #tpu.memory_space<semaphore_mem>>, %arg12: memref<!tpu.dma_semaphore, #tpu.memory_space<semaphore_mem>>, %arg13: memref<!tpu.dma_semaphore, #tpu.memory_space<semaphore_mem>>) attributes {dimension_semantics = [#tpu.dimension_semantics<core_parallel>, #tpu.dimension_semantics<subcore_parallel>], iteration_bounds = array<i64: 2, 16>, scalar_prefetch = 0 : i64, scratch_operands = 9 : i64, tpu.core_type = #tpu.core_type<sc_vector_subcore>, window_params = [{transform_indices = #map}, {transform_indices = #map1}, {transform_indices = #map}]} {
    %mul3A = arith.constant 2 : i32
    %mul3A_0 = arith.muli %arg1, %mul3A : i32
    %add3A = arith.addi %mul3A_0, %arg0 : i32
    %shift_right_arithmetic3A = arith.constant 3 : i32
    %shift_right_arithmetic3A_1 = arith.shrsi %add3A, %shift_right_arithmetic3A : i32
    %add3A_2 = arith.constant 96 : i32
    %add3A_3 = arith.addi %add3A_2, %shift_right_arithmetic3A_1 : i32
    %and3A = arith.constant 7 : i32
    %and3A_4 = arith.andi %add3A, %and3A : i32
    %mul3A_5 = arith.constant 2048 : i32
    %mul3A_6 = arith.muli %and3A_4, %mul3A_5 : i32
    %mul3A_7 = arith.constant 3 : i32
    %mul3A_8 = arith.muli %add3A, %mul3A_7 : i32
    %add3A_9 = arith.constant 0 : i32
    %add3A_10 = arith.addi %mul3A_8, %add3A_9 : i32
    %mul3A_11 = arith.constant 3 : i32
    %mul3A_12 = arith.muli %add3A, %mul3A_11 : i32
    %add3A_13 = arith.constant 1 : i32
    %add3A_14 = arith.addi %mul3A_12, %add3A_13 : i32
    %mul3A_15 = arith.constant 3 : i32
    %mul3A_16 = arith.muli %add3A, %mul3A_15 : i32
    %add3A_17 = arith.constant 2 : i32
    %add3A_18 = arith.addi %mul3A_16, %add3A_17 : i32
    %dma_start3A = arith.constant 0 : i32
    %dma_start3A_19 = tpu.memref_slice %arg2[%add3A_10, %dma_start3A] : memref<100x16384xf32, #tpu.memory_space<hbm>> -> memref<1x16384xf32, #tpu.memory_space<hbm>>
    %dma_start3A_20 = tpu.memref_squeeze %dma_start3A_19 : memref<1x16384xf32, #tpu.memory_space<hbm>> -> memref<16384xf32, #tpu.memory_space<hbm>>
    %dma_start3A_21 = arith.constant 0 : i32
    %dma_start3A_22 = tpu.memref_slice %arg2[%add3A_10, %dma_start3A_21] : memref<100x16384xf32, #tpu.memory_space<hbm>> -> memref<1x16384xf32, #tpu.memory_space<hbm>>
    %dma_start3A_23 = tpu.memref_squeeze %dma_start3A_22 : memref<1x16384xf32, #tpu.memory_space<hbm>> -> memref<16384xf32, #tpu.memory_space<hbm>>
    tpu.enqueue_dma source(%dma_start3A_23 : memref<16384xf32, #tpu.memory_space<hbm>>) target(%arg6 : memref<16384xf32, #tpu.memory_space<vmem>>) target_semaphore(%arg10 : memref<!tpu.dma_semaphore, #tpu.memory_space<semaphore_mem>>)
    "tpu.region"() ({
      %run_scoped3A = tpu.sem_alloc : memref<!tpu.dma_semaphore, #tpu.memory_space<semaphore_mem>>
      tpu.enqueue_dma source(%arg3 : memref<16384xi32, #tpu.memory_space<hbm>>) target(%arg5 : memref<16384xi32, #tpu.memory_space<vmem>>) target_semaphore(%run_scoped3A : memref<!tpu.dma_semaphore, #tpu.memory_space<semaphore_mem>>)
      tpu.wait_dma2 semaphore(%run_scoped3A : memref<!tpu.dma_semaphore, #tpu.memory_space<semaphore_mem>>) src(%arg3 : memref<16384xi32, #tpu.memory_space<hbm>>) dst(%arg5 : memref<16384xi32, #tpu.memory_space<vmem>>)
      tpu.yield
    }) : () -> ()
    %dma_wait3A = arith.constant 0 : i32
    %dma_wait3A_24 = tpu.memref_slice %arg2[%add3A_10, %dma_wait3A] : memref<100x16384xf32, #tpu.memory_space<hbm>> -> memref<1x16384xf32, #tpu.memory_space<hbm>>
    %dma_wait3A_25 = tpu.memref_squeeze %dma_wait3A_24 : memref<1x16384xf32, #tpu.memory_space<hbm>> -> memref<16384xf32, #tpu.memory_space<hbm>>
    %dma_wait3A_26 = arith.constant 0 : i32
    %dma_wait3A_27 = tpu.memref_slice %arg2[%add3A_10, %dma_wait3A_26] : memref<100x16384xf32, #tpu.memory_space<hbm>> -> memref<1x16384xf32, #tpu.memory_space<hbm>>
    %dma_wait3A_28 = tpu.memref_squeeze %dma_wait3A_27 : memref<1x16384xf32, #tpu.memory_space<hbm>> -> memref<16384xf32, #tpu.memory_space<hbm>>
    tpu.wait_dma2 semaphore(%arg10 : memref<!tpu.dma_semaphore, #tpu.memory_space<semaphore_mem>>) src(%dma_wait3A_28 : memref<16384xf32, #tpu.memory_space<hbm>>) dst(%arg6 : memref<16384xf32, #tpu.memory_space<vmem>>)
    %dma_start3A_29 = arith.constant 0 : i32
    %dma_start3A_30 = tpu.memref_slice %arg2[%add3A_14, %dma_start3A_29] : memref<100x16384xf32, #tpu.memory_space<hbm>> -> memref<1x16384xf32, #tpu.memory_space<hbm>>
    %dma_start3A_31 = tpu.memref_squeeze %dma_start3A_30 : memref<1x16384xf32, #tpu.memory_space<hbm>> -> memref<16384xf32, #tpu.memory_space<hbm>>
    %dma_start3A_32 = arith.constant 0 : i32
    %dma_start3A_33 = tpu.memref_slice %arg2[%add3A_14, %dma_start3A_32] : memref<100x16384xf32, #tpu.memory_space<hbm>> -> memref<1x16384xf32, #tpu.memory_space<hbm>>
    %dma_start3A_34 = tpu.memref_squeeze %dma_start3A_33 : memref<1x16384xf32, #tpu.memory_space<hbm>> -> memref<16384xf32, #tpu.memory_space<hbm>>
    tpu.enqueue_dma source(%dma_start3A_34 : memref<16384xf32, #tpu.memory_space<hbm>>) target(%arg7 : memref<16384xf32, #tpu.memory_space<vmem>>) target_semaphore(%arg11 : memref<!tpu.dma_semaphore, #tpu.memory_space<semaphore_mem>>)
    %parallel_loop3A = arith.constant 0 : i32
    %parallel_loop3A_35 = arith.constant 1024 : i32
    %parallel_loop3A_36 = arith.constant 1 : i32
    scf.for %parallel_loop3A_128 = %parallel_loop3A to %parallel_loop3A_35 step %parallel_loop3A_36  : i32 {
      %parallel_loop3A_129 = arith.constant 16 : i32
      %parallel_loop3A_130 = arith.muli %parallel_loop3A_128, %parallel_loop3A_129 : i32
      %parallel_loop3A_131 = arith.index_cast %parallel_loop3A_130 : i32 to index
      %parallel_loop3A_132 = tpu.vector_load %arg5[%parallel_loop3A_131] {strides = array<i32>} : memref<16384xi32, #tpu.memory_space<vmem>>, vector<16xi32>,
      %parallel_loop3A_133 = tpu.vector_load_idx %arg6[%parallel_loop3A_132] : memref<16384xf32, #tpu.memory_space<vmem>>[vector<16xi32>], vector<16xf32>,
      %parallel_loop3A_134 = arith.index_cast %parallel_loop3A_130 : i32 to index
      %parallel_loop3A_135 = tpu.vector_load %arg8[%parallel_loop3A_134] {strides = array<i32>} : memref<16384xf32, #tpu.memory_space<vmem>>, vector<16xf32>,
      tpu.vector_store %arg8[%parallel_loop3A_134], %parallel_loop3A_133 {strides = array<i32>} : memref<16384xf32, #tpu.memory_space<vmem>>, vector<16xf32>,
    } {sc.loop_unroll_factor = 8 : i64, sc.parallel_access}
    %dma_start3A_37 = arith.constant 0 : i32
    %dma_start3A_38 = tpu.memref_slice %arg4[%add3A_10, %dma_start3A_37] : memref<100x16384xf32, #tpu.memory_space<hbm>> -> memref<1x16384xf32, #tpu.memory_space<hbm>>
    %dma_start3A_39 = tpu.memref_squeeze %dma_start3A_38 : memref<1x16384xf32, #tpu.memory_space<hbm>> -> memref<16384xf32, #tpu.memory_space<hbm>>
    %dma_start3A_40 = arith.constant 0 : i32
    %dma_start3A_41 = tpu.memref_slice %arg4[%add3A_10, %dma_start3A_40] : memref<100x16384xf32, #tpu.memory_space<hbm>> -> memref<1x16384xf32, #tpu.memory_space<hbm>>
    %dma_start3A_42 = tpu.memref_squeeze %dma_start3A_41 : memref<1x16384xf32, #tpu.memory_space<hbm>> -> memref<16384xf32, #tpu.memory_space<hbm>>
    tpu.enqueue_dma source(%arg8 : memref<16384xf32, #tpu.memory_space<vmem>>) target(%dma_start3A_42 : memref<16384xf32, #tpu.memory_space<hbm>>) target_semaphore(%arg12 : memref<!tpu.dma_semaphore, #tpu.memory_space<semaphore_mem>>)
    %dma_wait3A_43 = arith.constant 0 : i32
    %dma_wait3A_44 = tpu.memref_slice %arg2[%add3A_14, %dma_wait3A_43] : memref<100x16384xf32, #tpu.memory_space<hbm>> -> memref<1x16384xf32, #tpu.memory_space<hbm>>
    %dma_wait3A_45 = tpu.memref_squeeze %dma_wait3A_44 : memref<1x16384xf32, #tpu.memory_space<hbm>> -> memref<16384xf32, #tpu.memory_space<hbm>>
    %dma_wait3A_46 = arith.constant 0 : i32
    %dma_wait3A_47 = tpu.memref_slice %arg2[%add3A_14, %dma_wait3A_46] : memref<100x16384xf32, #tpu.memory_space<hbm>> -> memref<1x16384xf32, #tpu.memory_space<hbm>>
    %dma_wait3A_48 = tpu.memref_squeeze %dma_wait3A_47 : memref<1x16384xf32, #tpu.memory_space<hbm>> -> memref<16384xf32, #tpu.memory_space<hbm>>
    tpu.wait_dma2 semaphore(%arg11 : memref<!tpu.dma_semaphore, #tpu.memory_space<semaphore_mem>>) src(%dma_wait3A_48 : memref<16384xf32, #tpu.memory_space<hbm>>) dst(%arg7 : memref<16384xf32, #tpu.memory_space<vmem>>)
    %dma_start3A_49 = arith.constant 0 : i32
    %dma_start3A_50 = tpu.memref_slice %arg2[%add3A_18, %dma_start3A_49] : memref<100x16384xf32, #tpu.memory_space<hbm>> -> memref<1x16384xf32, #tpu.memory_space<hbm>>
    %dma_start3A_51 = tpu.memref_squeeze %dma_start3A_50 : memref<1x16384xf32, #tpu.memory_space<hbm>> -> memref<16384xf32, #tpu.memory_space<hbm>>
    %dma_start3A_52 = arith.constant 0 : i32
    %dma_start3A_53 = tpu.memref_slice %arg2[%add3A_18, %dma_start3A_52] : memref<100x16384xf32, #tpu.memory_space<hbm>> -> memref<1x16384xf32, #tpu.memory_space<hbm>>
    %dma_start3A_54 = tpu.memref_squeeze %dma_start3A_53 : memref<1x16384xf32, #tpu.memory_space<hbm>> -> memref<16384xf32, #tpu.memory_space<hbm>>
    tpu.enqueue_dma source(%dma_start3A_54 : memref<16384xf32, #tpu.memory_space<hbm>>) target(%arg6 : memref<16384xf32, #tpu.memory_space<vmem>>) target_semaphore(%arg10 : memref<!tpu.dma_semaphore, #tpu.memory_space<semaphore_mem>>)
    %parallel_loop3A_55 = arith.constant 0 : i32
    %parallel_loop3A_56 = arith.constant 1024 : i32
    %parallel_loop3A_57 = arith.constant 1 : i32
    scf.for %parallel_loop3A_128 = %parallel_loop3A_55 to %parallel_loop3A_56 step %parallel_loop3A_57  : i32 {
      %parallel_loop3A_129 = arith.constant 16 : i32
      %parallel_loop3A_130 = arith.muli %parallel_loop3A_128, %parallel_loop3A_129 : i32
      %parallel_loop3A_131 = arith.index_cast %parallel_loop3A_130 : i32 to index
      %parallel_loop3A_132 = tpu.vector_load %arg5[%parallel_loop3A_131] {strides = array<i32>} : memref<16384xi32, #tpu.memory_space<vmem>>, vector<16xi32>,
      %parallel_loop3A_133 = tpu.vector_load_idx %arg7[%parallel_loop3A_132] : memref<16384xf32, #tpu.memory_space<vmem>>[vector<16xi32>], vector<16xf32>,
      %parallel_loop3A_134 = arith.index_cast %parallel_loop3A_130 : i32 to index
      %parallel_loop3A_135 = tpu.vector_load %arg9[%parallel_loop3A_134] {strides = array<i32>} : memref<16384xf32, #tpu.memory_space<vmem>>, vector<16xf32>,
      tpu.vector_store %arg9[%parallel_loop3A_134], %parallel_loop3A_133 {strides = array<i32>} : memref<16384xf32, #tpu.memory_space<vmem>>, vector<16xf32>,
    } {sc.loop_unroll_factor = 8 : i64, sc.parallel_access}
    %dma_start3A_58 = arith.constant 0 : i32
    %dma_start3A_59 = tpu.memref_slice %arg4[%add3A_14, %dma_start3A_58] : memref<100x16384xf32, #tpu.memory_space<hbm>> -> memref<1x16384xf32, #tpu.memory_space<hbm>>
    %dma_start3A_60 = tpu.memref_squeeze %dma_start3A_59 : memref<1x16384xf32, #tpu.memory_space<hbm>> -> memref<16384xf32, #tpu.memory_space<hbm>>
    %dma_start3A_61 = arith.constant 0 : i32
    %dma_start3A_62 = tpu.memref_slice %arg4[%add3A_14, %dma_start3A_61] : memref<100x16384xf32, #tpu.memory_space<hbm>> -> memref<1x16384xf32, #tpu.memory_space<hbm>>
    %dma_start3A_63 = tpu.memref_squeeze %dma_start3A_62 : memref<1x16384xf32, #tpu.memory_space<hbm>> -> memref<16384xf32, #tpu.memory_space<hbm>>
    tpu.enqueue_dma source(%arg9 : memref<16384xf32, #tpu.memory_space<vmem>>) target(%dma_start3A_63 : memref<16384xf32, #tpu.memory_space<hbm>>) target_semaphore(%arg13 : memref<!tpu.dma_semaphore, #tpu.memory_space<semaphore_mem>>)
    %dma_wait3A_64 = arith.constant 0 : i32
    %dma_wait3A_65 = tpu.memref_slice %arg2[%add3A_18, %dma_wait3A_64] : memref<100x16384xf32, #tpu.memory_space<hbm>> -> memref<1x16384xf32, #tpu.memory_space<hbm>>
    %dma_wait3A_66 = tpu.memref_squeeze %dma_wait3A_65 : memref<1x16384xf32, #tpu.memory_space<hbm>> -> memref<16384xf32, #tpu.memory_space<hbm>>
    %dma_wait3A_67 = arith.constant 0 : i32
    %dma_wait3A_68 = tpu.memref_slice %arg2[%add3A_18, %dma_wait3A_67] : memref<100x16384xf32, #tpu.memory_space<hbm>> -> memref<1x16384xf32, #tpu.memory_space<hbm>>
    %dma_wait3A_69 = tpu.memref_squeeze %dma_wait3A_68 : memref<1x16384xf32, #tpu.memory_space<hbm>> -> memref<16384xf32, #tpu.memory_space<hbm>>
    tpu.wait_dma2 semaphore(%arg10 : memref<!tpu.dma_semaphore, #tpu.memory_space<semaphore_mem>>) src(%dma_wait3A_69 : memref<16384xf32, #tpu.memory_space<hbm>>) dst(%arg6 : memref<16384xf32, #tpu.memory_space<vmem>>)
    %dma_start3A_70 = arith.constant 0 : i32
    %dma_start3A_71 = tpu.memref_slice %arg2[%add3A_3, %dma_start3A_70] : memref<100x16384xf32, #tpu.memory_space<hbm>> -> memref<1x16384xf32, #tpu.memory_space<hbm>>
    %dma_start3A_72 = tpu.memref_squeeze %dma_start3A_71 : memref<1x16384xf32, #tpu.memory_space<hbm>> -> memref<16384xf32, #tpu.memory_space<hbm>>
    %dma_start3A_73 = arith.constant 0 : i32
    %dma_start3A_74 = tpu.memref_slice %arg2[%add3A_3, %dma_start3A_73] : memref<100x16384xf32, #tpu.memory_space<hbm>> -> memref<1x16384xf32, #tpu.memory_space<hbm>>
    %dma_start3A_75 = tpu.memref_squeeze %dma_start3A_74 : memref<1x16384xf32, #tpu.memory_space<hbm>> -> memref<16384xf32, #tpu.memory_space<hbm>>
    tpu.enqueue_dma source(%dma_start3A_75 : memref<16384xf32, #tpu.memory_space<hbm>>) target(%arg7 : memref<16384xf32, #tpu.memory_space<vmem>>) target_semaphore(%arg11 : memref<!tpu.dma_semaphore, #tpu.memory_space<semaphore_mem>>)
    %dma_wait3A_76 = arith.constant 0 : i32
    %dma_wait3A_77 = tpu.memref_slice %arg4[%add3A_10, %dma_wait3A_76] : memref<100x16384xf32, #tpu.memory_space<hbm>> -> memref<1x16384xf32, #tpu.memory_space<hbm>>
    %dma_wait3A_78 = tpu.memref_squeeze %dma_wait3A_77 : memref<1x16384xf32, #tpu.memory_space<hbm>> -> memref<16384xf32, #tpu.memory_space<hbm>>
    %dma_wait3A_79 = arith.constant 0 : i32
    %dma_wait3A_80 = tpu.memref_slice %arg4[%add3A_10, %dma_wait3A_79] : memref<100x16384xf32, #tpu.memory_space<hbm>> -> memref<1x16384xf32, #tpu.memory_space<hbm>>
    %dma_wait3A_81 = tpu.memref_squeeze %dma_wait3A_80 : memref<1x16384xf32, #tpu.memory_space<hbm>> -> memref<16384xf32, #tpu.memory_space<hbm>>
    tpu.wait_dma2 semaphore(%arg12 : memref<!tpu.dma_semaphore, #tpu.memory_space<semaphore_mem>>) src(%arg8 : memref<16384xf32, #tpu.memory_space<vmem>>) dst(%dma_wait3A_81 : memref<16384xf32, #tpu.memory_space<hbm>>)
    %parallel_loop3A_82 = arith.constant 0 : i32
    %parallel_loop3A_83 = arith.constant 1024 : i32
    %parallel_loop3A_84 = arith.constant 1 : i32
    scf.for %parallel_loop3A_128 = %parallel_loop3A_82 to %parallel_loop3A_83 step %parallel_loop3A_84  : i32 {
      %parallel_loop3A_129 = arith.constant 16 : i32
      %parallel_loop3A_130 = arith.muli %parallel_loop3A_128, %parallel_loop3A_129 : i32
      %parallel_loop3A_131 = arith.index_cast %parallel_loop3A_130 : i32 to index
      %parallel_loop3A_132 = tpu.vector_load %arg5[%parallel_loop3A_131] {strides = array<i32>} : memref<16384xi32, #tpu.memory_space<vmem>>, vector<16xi32>,
      %parallel_loop3A_133 = tpu.vector_load_idx %arg6[%parallel_loop3A_132] : memref<16384xf32, #tpu.memory_space<vmem>>[vector<16xi32>], vector<16xf32>,
      %parallel_loop3A_134 = arith.index_cast %parallel_loop3A_130 : i32 to index
      %parallel_loop3A_135 = tpu.vector_load %arg8[%parallel_loop3A_134] {strides = array<i32>} : memref<16384xf32, #tpu.memory_space<vmem>>, vector<16xf32>,
      tpu.vector_store %arg8[%parallel_loop3A_134], %parallel_loop3A_133 {strides = array<i32>} : memref<16384xf32, #tpu.memory_space<vmem>>, vector<16xf32>,
    } {sc.loop_unroll_factor = 8 : i64, sc.parallel_access}
    %dma_start3A_85 = arith.constant 0 : i32
    %dma_start3A_86 = tpu.memref_slice %arg4[%add3A_18, %dma_start3A_85] : memref<100x16384xf32, #tpu.memory_space<hbm>> -> memref<1x16384xf32, #tpu.memory_space<hbm>>
    %dma_start3A_87 = tpu.memref_squeeze %dma_start3A_86 : memref<1x16384xf32, #tpu.memory_space<hbm>> -> memref<16384xf32, #tpu.memory_space<hbm>>
    %dma_start3A_88 = arith.constant 0 : i32
    %dma_start3A_89 = tpu.memref_slice %arg4[%add3A_18, %dma_start3A_88] : memref<100x16384xf32, #tpu.memory_space<hbm>> -> memref<1x16384xf32, #tpu.memory_space<hbm>>
    %dma_start3A_90 = tpu.memref_squeeze %dma_start3A_89 : memref<1x16384xf32, #tpu.memory_space<hbm>> -> memref<16384xf32, #tpu.memory_space<hbm>>
    tpu.enqueue_dma source(%arg8 : memref<16384xf32, #tpu.memory_space<vmem>>) target(%dma_start3A_90 : memref<16384xf32, #tpu.memory_space<hbm>>) target_semaphore(%arg12 : memref<!tpu.dma_semaphore, #tpu.memory_space<semaphore_mem>>)
    %dma_wait3A_91 = arith.constant 0 : i32
    %dma_wait3A_92 = tpu.memref_slice %arg2[%add3A_3, %dma_wait3A_91] : memref<100x16384xf32, #tpu.memory_space<hbm>> -> memref<1x16384xf32, #tpu.memory_space<hbm>>
    %dma_wait3A_93 = tpu.memref_squeeze %dma_wait3A_92 : memref<1x16384xf32, #tpu.memory_space<hbm>> -> memref<16384xf32, #tpu.memory_space<hbm>>
    %dma_wait3A_94 = arith.constant 0 : i32
    %dma_wait3A_95 = tpu.memref_slice %arg2[%add3A_3, %dma_wait3A_94] : memref<100x16384xf32, #tpu.memory_space<hbm>> -> memref<1x16384xf32, #tpu.memory_space<hbm>>
    %dma_wait3A_96 = tpu.memref_squeeze %dma_wait3A_95 : memref<1x16384xf32, #tpu.memory_space<hbm>> -> memref<16384xf32, #tpu.memory_space<hbm>>
    tpu.wait_dma2 semaphore(%arg11 : memref<!tpu.dma_semaphore, #tpu.memory_space<semaphore_mem>>) src(%dma_wait3A_96 : memref<16384xf32, #tpu.memory_space<hbm>>) dst(%arg7 : memref<16384xf32, #tpu.memory_space<vmem>>)
    %dma_wait3A_97 = arith.constant 0 : i32
    %dma_wait3A_98 = tpu.memref_slice %arg4[%add3A_14, %dma_wait3A_97] : memref<100x16384xf32, #tpu.memory_space<hbm>> -> memref<1x16384xf32, #tpu.memory_space<hbm>>
    %dma_wait3A_99 = tpu.memref_squeeze %dma_wait3A_98 : memref<1x16384xf32, #tpu.memory_space<hbm>> -> memref<16384xf32, #tpu.memory_space<hbm>>
    %dma_wait3A_100 = arith.constant 0 : i32
    %dma_wait3A_101 = tpu.memref_slice %arg4[%add3A_14, %dma_wait3A_100] : memref<100x16384xf32, #tpu.memory_space<hbm>> -> memref<1x16384xf32, #tpu.memory_space<hbm>>
    %dma_wait3A_102 = tpu.memref_squeeze %dma_wait3A_101 : memref<1x16384xf32, #tpu.memory_space<hbm>> -> memref<16384xf32, #tpu.memory_space<hbm>>
    tpu.wait_dma2 semaphore(%arg13 : memref<!tpu.dma_semaphore, #tpu.memory_space<semaphore_mem>>) src(%arg9 : memref<16384xf32, #tpu.memory_space<vmem>>) dst(%dma_wait3A_102 : memref<16384xf32, #tpu.memory_space<hbm>>)
    %parallel_loop3A_103 = arith.constant 0 : i32
    %parallel_loop3A_104 = arith.constant 128 : i32
    %parallel_loop3A_105 = arith.constant 1 : i32
    scf.for %parallel_loop3A_128 = %parallel_loop3A_103 to %parallel_loop3A_104 step %parallel_loop3A_105  : i32 {
      %parallel_loop3A_129 = arith.constant 16 : i32
      %parallel_loop3A_130 = arith.muli %parallel_loop3A_128, %parallel_loop3A_129 : i32
      %parallel_loop3A_131 = arith.addi %mul3A_6, %parallel_loop3A_130 : i32
      %parallel_loop3A_132 = arith.index_cast %parallel_loop3A_131 : i32 to index
      %parallel_loop3A_133 = tpu.vector_load %arg5[%parallel_loop3A_132] {strides = array<i32>} : memref<16384xi32, #tpu.memory_space<vmem>>, vector<16xi32>,
      %parallel_loop3A_134 = tpu.vector_load_idx %arg7[%parallel_loop3A_133] : memref<16384xf32, #tpu.memory_space<vmem>>[vector<16xi32>], vector<16xf32>,
      %parallel_loop3A_135 = arith.index_cast %parallel_loop3A_130 : i32 to index
      %parallel_loop3A_136 = tpu.vector_load %arg9[%parallel_loop3A_135] {strides = array<i32>} : memref<16384xf32, #tpu.memory_space<vmem>>, vector<16xf32>,
      tpu.vector_store %arg9[%parallel_loop3A_135], %parallel_loop3A_134 {strides = array<i32>} : memref<16384xf32, #tpu.memory_space<vmem>>, vector<16xf32>,
    } {sc.loop_unroll_factor = 8 : i64, sc.parallel_access}
    %dma_start3A_106 = arith.constant 0 : i32
    %dma_start3A_107 = tpu.memref_slice %arg9[%dma_start3A_106] : memref<16384xf32, #tpu.memory_space<vmem>> -> memref<2048xf32, #tpu.memory_space<vmem>>
    %dma_start3A_108 = tpu.memref_slice %arg4[%add3A_3, %mul3A_6] : memref<100x16384xf32, #tpu.memory_space<hbm>> -> memref<1x2048xf32, #tpu.memory_space<hbm>>
    %dma_start3A_109 = tpu.memref_squeeze %dma_start3A_108 : memref<1x2048xf32, #tpu.memory_space<hbm>> -> memref<2048xf32, #tpu.memory_space<hbm>>
    %dma_start3A_110 = tpu.memref_slice %arg4[%add3A_3, %mul3A_6] : memref<100x16384xf32, #tpu.memory_space<hbm>> -> memref<1x2048xf32, #tpu.memory_space<hbm>>
    %dma_start3A_111 = tpu.memref_squeeze %dma_start3A_110 : memref<1x2048xf32, #tpu.memory_space<hbm>> -> memref<2048xf32, #tpu.memory_space<hbm>>
    %dma_start3A_112 = arith.constant 0 : i32
    %dma_start3A_113 = tpu.memref_slice %arg9[%dma_start3A_112] : memref<16384xf32, #tpu.memory_space<vmem>> -> memref<2048xf32, #tpu.memory_space<vmem>>
    tpu.enqueue_dma source(%dma_start3A_113 : memref<2048xf32, #tpu.memory_space<vmem>>) target(%dma_start3A_111 : memref<2048xf32, #tpu.memory_space<hbm>>) target_semaphore(%arg13 : memref<!tpu.dma_semaphore, #tpu.memory_space<semaphore_mem>>)
    %dma_wait3A_114 = arith.constant 0 : i32
    %dma_wait3A_115 = tpu.memref_slice %arg4[%add3A_18, %dma_wait3A_114] : memref<100x16384xf32, #tpu.memory_space<hbm>> -> memref<1x16384xf32, #tpu.memory_space<hbm>>
    %dma_wait3A_116 = tpu.memref_squeeze %dma_wait3A_115 : memref<1x16384xf32, #tpu.memory_space<hbm>> -> memref<16384xf32, #tpu.memory_space<hbm>>
    %dma_wait3A_117 = arith.constant 0 : i32
    %dma_wait3A_118 = tpu.memref_slice %arg4[%add3A_18, %dma_wait3A_117] : memref<100x16384xf32, #tpu.memory_space<hbm>> -> memref<1x16384xf32, #tpu.memory_space<hbm>>
    %dma_wait3A_119 = tpu.memref_squeeze %dma_wait3A_118 : memref<1x16384xf32, #tpu.memory_space<hbm>> -> memref<16384xf32, #tpu.memory_space<hbm>>
    tpu.wait_dma2 semaphore(%arg12 : memref<!tpu.dma_semaphore, #tpu.memory_space<semaphore_mem>>) src(%arg8 : memref<16384xf32, #tpu.memory_space<vmem>>) dst(%dma_wait3A_119 : memref<16384xf32, #tpu.memory_space<hbm>>)
    %dma_wait3A_120 = arith.constant 0 : i32
    %dma_wait3A_121 = tpu.memref_slice %arg9[%dma_wait3A_120] : memref<16384xf32, #tpu.memory_space<vmem>> -> memref<2048xf32, #tpu.memory_space<vmem>>
    %dma_wait3A_122 = tpu.memref_slice %arg4[%add3A_3, %mul3A_6] : memref<100x16384xf32, #tpu.memory_space<hbm>> -> memref<1x2048xf32, #tpu.memory_space<hbm>>
    %dma_wait3A_123 = tpu.memref_squeeze %dma_wait3A_122 : memref<1x2048xf32, #tpu.memory_space<hbm>> -> memref<2048xf32, #tpu.memory_space<hbm>>
    %dma_wait3A_124 = tpu.memref_slice %arg4[%add3A_3, %mul3A_6] : memref<100x16384xf32, #tpu.memory_space<hbm>> -> memref<1x2048xf32, #tpu.memory_space<hbm>>
    %dma_wait3A_125 = tpu.memref_squeeze %dma_wait3A_124 : memref<1x2048xf32, #tpu.memory_space<hbm>> -> memref<2048xf32, #tpu.memory_space<hbm>>
    %dma_wait3A_126 = arith.constant 0 : i32
    %dma_wait3A_127 = tpu.memref_slice %arg9[%dma_wait3A_126] : memref<16384xf32, #tpu.memory_space<vmem>> -> memref<2048xf32, #tpu.memory_space<vmem>>
    tpu.wait_dma2 semaphore(%arg13 : memref<!tpu.dma_semaphore, #tpu.memory_space<semaphore_mem>>) src(%dma_wait3A_127 : memref<2048xf32, #tpu.memory_space<vmem>>) dst(%dma_wait3A_125 : memref<2048xf32, #tpu.memory_space<hbm>>)
    return
  }
}

module attributes {stable_mosaic.version = 14 : i64} {
  func.func @_tc_select_body(%arg0: i32, %arg1: memref<100x2048xf32, #tpu.memory_space<vmem>>, %arg2: memref<2048xf32, #tpu.memory_space<vmem>>, %arg3: memref<100x2048xf32, #tpu.memory_space<vmem>>, %arg4: memref<100x2048xf32, #tpu.memory_space<vmem>>, %arg5: memref<100x2048xf32, #tpu.memory_space<vmem>>) attributes {dimension_semantics = [#tpu.dimension_semantics<arbitrary>], iteration_bounds = array<i64: 8>, scalar_prefetch = 0 : i64, scratch_operands = 0 : i64, tpu.core_type = #tpu.core_type<tc>, window_params = [{transform_indices = @transform_0, window_bounds = array<i64: 100, 2048>}, {transform_indices = @transform_1, window_bounds = array<i64: 2048>}, {transform_indices = @transform_2, window_bounds = array<i64: 100, 2048>}, {transform_indices = @transform_3, window_bounds = array<i64: 100, 2048>}, {transform_indices = @transform_4, window_bounds = array<i64: 100, 2048>}]} {
    %get3A = arith.constant 0 : index
    %get3A_0 = arith.constant 0 : index
    %get3A_1 = vector.load %arg1[%get3A, %get3A_0] : memref<100x2048xf32, #tpu.memory_space<vmem>>, vector<100x2048xf32>
    %get3A_2 = arith.constant 0 : index
    %get3A_3 = vector.load %arg2[%get3A_2] : memref<2048xf32, #tpu.memory_space<vmem>>, vector<2048xf32>
    %broadcast_in_dim3A = vector.shape_cast %get3A_3 : vector<2048xf32> to vector<1x2048xf32>
    %lt3A = vector.broadcast %broadcast_in_dim3A : vector<1x2048xf32> to vector<100x2048xf32>
    %lt3A_4 = arith.cmpf olt, %get3A_1, %lt3A : vector<100x2048xf32>
    %get3A_5 = arith.constant 0 : index
    %get3A_6 = arith.constant 0 : index
    %get3A_7 = vector.load %arg3[%get3A_5, %get3A_6] : memref<100x2048xf32, #tpu.memory_space<vmem>>, vector<100x2048xf32>
    %get3A_8 = arith.constant 0 : index
    %get3A_9 = arith.constant 0 : index
    %get3A_10 = vector.load %arg4[%get3A_8, %get3A_9] : memref<100x2048xf32, #tpu.memory_space<vmem>>, vector<100x2048xf32>
    %select_n3A = arith.select %lt3A_4, %get3A_7, %get3A_10 : vector<100x2048xi1>, vector<100x2048xf32>
    %swap3A = arith.constant 0 : index
    %swap3A_11 = arith.constant 0 : index
    %swap3A_12 = vector.load %arg5[%swap3A, %swap3A_11] : memref<100x2048xf32, #tpu.memory_space<vmem>>, vector<100x2048xf32>
    tpu.vector_store %arg5[%swap3A, %swap3A_11], %select_n3A {strides = array<i32>} : memref<100x2048xf32, #tpu.memory_space<vmem>>, vector<100x2048xf32>,
    return
  }
  func.func @transform_0(%arg0: i32) -> (i32, i32) {
    %c0_i32 = arith.constant 0 : i32
    %c0_i32_0 = arith.constant 0 : i32
    return %c0_i32, %arg0 : i32, i32
  }
  func.func @transform_1(%arg0: i32) -> i32 {
    %c0_i32 = arith.constant 0 : i32
    return %arg0 : i32
  }
  func.func @transform_2(%arg0: i32) -> (i32, i32) {
    %c0_i32 = arith.constant 0 : i32
    %c0_i32_0 = arith.constant 0 : i32
    return %c0_i32, %arg0 : i32, i32
  }
  func.func @transform_3(%arg0: i32) -> (i32, i32) {
    %c0_i32 = arith.constant 0 : i32
    %c0_i32_0 = arith.constant 0 : i32
    return %c0_i32, %arg0 : i32, i32
  }
  func.func @transform_4(%arg0: i32) -> (i32, i32) {
    %c0_i32 = arith.constant 0 : i32
    %c0_i32_0 = arith.constant 0 : i32
    return %c0_i32, %arg0 : i32, i32
  }
}

</mosaic_0001>

<sc_bundles>
// kernel: kernel.4.cloned.1.call-start
scs
__scs_entry_jumppad:
0x0: {  	(pc) =	sbr.rel $0x88, $3  }
0x1: {  	(tag) =	ssettag $0x0;
	lr =	simm.s32 $0x1  }
0x2: {  	[smem:$0x3F9F] =	sst lr;
	_ =	strace $0xD0000000  }
0x3: {  	_ = 	snop  }
0x4: {  	_ = 	snop  }
0x5: {  	_ = 	snop  }
0x6: {  	_ = 	snop  }
0x7: {  	_ = 	snop  }
__scs_overlays_trampoline_lowered:
0x8: {  	[smem:$0x3FAE] =	sst s0  }
0x9: {  	[smem:$0x3FAF] =	sst s1  }
0xa: {  	[smem:$0x3FB0] =	sst s2  }
0xb: {  	[smem:$0x3FB1] =	sst s3  }
0xc: {  	[smem:$0x3FB2] =	sst s4  }
0xd: {  	[smem:$0x3FB3] =	sst s5  }
0xe: {  	[smem:$0x3FB4] =	sst s6  }
0xf: {  	[smem:$0x3FB5] =	sst s7  }
0x10: {  	[smem:$0x3FB6] =	sst s8  }
0x11: {  	[smem:$0x3FB7] =	sst s9;
	s0 =	simm.s32 @!p0 $0x0  }
0x12: {  	s1 =	sld [smem:$0x3F9D];
	s0 =	simm.s32 @p0 $0x1  }
0x13: {  	[smem:$0x3FB8] =	sst s0;
	s0 =	simm.s32 @!p1 $0x0  }
0x14: {  	s2 =	sld [smem:$0x3F9C];
	s0 =	simm.s32 @p1 $0x1  }
0x15: {  	[smem:$0x3FB9] =	sst s0;
	s0 =	simm.s32 @!p2 $0x0  }
0x16: {  	s3 =	sld [smem:$0x3FDB];
	s0 =	simm.s32 @p2 $0x1  }
0x17: {  	s4 =	simm.s32 $0x1BF5;
	[smem:$0x3FBB] =	sst s0  }
0x18: {  	s0 =	sld [smem:$0x3F9E];
	_ =	swait.ge [sflag:s4], $0x0  }
0x19: {  	s7 =	sld [smem:$0x3F9F]  }
0x1a: {  	s8 =	sadd.s32 $0xFFFFE003, lr  }
0x1b: {  	s9 =	sadd.s32 $0xFFFFFEF7, lr;
	s5 =	simm.s32 $0xFFFFFFFF;
	p2 =	slt.u32 s8, $0xFFFFF086  }
0x1c: {  	p1 =	slt.u32 s9, $0xF7A;
	s5 =	simm.s32 @!p2 $0x0  }
0x1d: {  	s5 =	simm.s32 @p1 $0x1;
	p0 =	seq.s32 s7, s2  }
0x1e: {  	s7 =	smul.u32 @!p0 $0xF7A, s2;
	p2 =	seq.s32 @!p0 s5, $0x0  }
0x1f: {  	s9 =	smul.u32 $0xF7A, s1;
	s8 =	simm.s32 @!p0 $0x1BF5;
	p2 =	por !p2, p0  }
0x20: {  	[sflag:s8] =	ssyncset.s32 @!p0 $0xFFFFF086;
	s6 =	sadd.s32 @!p0 s3, s7;
	s7 =	simm.s32 @!p0 $0x108  }
0x21: {  	s3 =	sadd.s32 s3, s9;
	s6 =	sadd.s32 @!p0 $0x88, s6;
	s7 =	simm.s32 @p2 $0x1082  }
0x22: {  	[simem:s7], [sflag:s8] =	dma.local @!p0 [hbm:s6], $0xF7A  }
0x23: {  	s9 =	sor.u32 $0xD0000000, s2;
	s6 =	simm.s32 $0x108;
	_ =	swait.ge @!p0 [sflag:s8], $0x0  }
0x24: {  	s3 =	sadd.s32 $0x88, s3;
	s6 =	simm.s32 @!p1 $0x1082;
	[sflag:s4] =	ssyncset.s32 $0xFFFFF086  }
0x25: {  	[simem:s6], [sflag:s4] =	dma.local [hbm:s3], $0xF7A  }
0x26: {  	[smem:$0x3F9F] =	sst s1;
	(tag) =	ssettag s2;
	_ =	strace s9  }
0x27: {  	s1 =	sld [smem:$0x3FAF]  }
0x28: {  	s2 =	sld [smem:$0x3FB0]  }
0x29: {  	s4 =	sld [smem:$0x3FB2]  }
0x2a: {  	p0 =	seq.s32 s5, $0x0;
	s5 =	sld [smem:$0x3FB3]  }
0x2b: {  	s6 =	sld [smem:$0x3FB4]  }
0x2c: {  	s7 =	sld [smem:$0x3FB5]  }
0x2d: {  	s3 =	simm.s32 $0x108;
	s8 =	sld [smem:$0x3FB6]  }
0x2e: {  	s3 =	simm.s32 @!p0 $0x1082;
	s9 =	sld [smem:$0x3FB7]  }
0x2f: {  	lr =	sadd.s32 s0, s3;
	s0 =	sld [smem:$0x3FAE]  }
0x30: {  	s3 =	sld [smem:$0x3FB1]  }
0x31: {  	[smem:$0x3FBA] =	sst s10  }
0x32: {  	s10 =	sld [smem:$0x3FB8];
	_ =	sdelay $0x3  }
0x33: {  	p0 =	seq.s32 s10, $0x1;
	s10 =	sld [smem:$0x3FBA];
	_ =	sdelay $0x3  }
0x34: {  	[smem:$0x3FBA] =	sst s10  }
0x35: {  	s10 =	sld [smem:$0x3FB9];
	_ =	sdelay $0x3  }
0x36: {  	p1 =	seq.s32 s10, $0x1;
	s10 =	sld [smem:$0x3FBA];
	_ =	sdelay $0x3  }
0x37: {  	[smem:$0x3FBA] =	sst s10  }
0x38: {  	s10 =	sld [smem:$0x3FBB]  }
0x39: {  	_ = 	snop;
	(pc) =	sbr.ind lr, $3  }
0x3a: {  	_ = 	snop  }
0x3b: {  	_ = 	snop  }
0x3c: {  	p2 =	seq.s32 s10, $0x1;
	s10 =	sld [smem:$0x3FBA]  }
0x3d: {  	_ =	shalt  }
0x3e: {  	_ =	shalt  }
0x3f: {  	_ =	shalt  }
0x40: {  	_ =	shalt  }
0x41: {  	_ =	shalt  }
0x42: {  	_ =	shalt  }
0x43: {  	_ =	shalt  }
0x44: {  	_ =	shalt  }
0x45: {  	_ =	shalt  }
0x46: {  	_ =	shalt  }
0x47: {  	_ =	shalt  }
0x48: {  	_ =	shalt  }
0x49: {  	_ =	shalt  }
0x4a: {  	_ =	shalt  }
0x4b: {  	_ =	shalt  }
0x4c: {  	_ =	shalt  }
0x4d: {  	_ =	shalt  }
0x4e: {  	_ =	shalt  }
0x4f: {  	_ =	shalt  }
0x50: {  	_ =	shalt  }
0x51: {  	_ =	shalt  }
0x52: {  	_ =	shalt  }
0x53: {  	_ =	shalt  }
0x54: {  	_ =	shalt  }
0x55: {  	_ =	shalt  }
0x56: {  	_ =	shalt  }
0x57: {  	_ =	shalt  }
0x58: {  	_ =	shalt  }
0x59: {  	_ =	shalt  }
0x5a: {  	_ =	shalt  }
0x5b: {  	_ =	shalt  }
0x5c: {  	_ =	shalt  }
0x5d: {  	_ =	shalt  }
0x5e: {  	_ =	shalt  }
0x5f: {  	_ =	shalt  }
0x60: {  	_ =	shalt  }
0x61: {  	_ =	shalt  }
0x62: {  	_ =	shalt  }
0x63: {  	_ =	shalt  }
0x64: {  	_ =	shalt  }
0x65: {  	_ =	shalt  }
0x66: {  	_ =	shalt  }
0x67: {  	_ =	shalt  }
0x68: {  	_ =	shalt  }
0x69: {  	_ =	shalt  }
0x6a: {  	_ =	shalt  }
0x6b: {  	_ =	shalt  }
0x6c: {  	_ =	shalt  }
0x6d: {  	_ =	shalt  }
0x6e: {  	_ =	shalt  }
0x6f: {  	_ =	shalt  }
0x70: {  	_ =	shalt  }
0x71: {  	_ =	shalt  }
0x72: {  	_ =	shalt  }
0x73: {  	_ =	shalt  }
0x74: {  	_ =	shalt  }
0x75: {  	_ =	shalt  }
0x76: {  	_ =	shalt  }
0x77: {  	_ =	shalt  }
0x78: {  	_ =	shalt  }
0x79: {  	_ =	shalt  }
0x7a: {  	_ =	shalt  }
0x7b: {  	_ =	shalt  }
0x7c: {  	_ =	shalt  }
0x7d: {  	_ =	shalt  }
0x7e: {  	_ =	shalt  }
0x7f: {  	_ =	shalt  }
0x80: {  	_ =	shalt  }
0x81: {  	_ =	shalt  }
0x82: {  	_ =	shalt  }
0x83: {  	_ =	shalt  }
0x84: {  	_ =	shalt  }
0x85: {  	_ =	shalt  }
0x86: {  	_ =	shalt  }
0x87: {  	_ =	shalt  }
.Lfunc_end0:
.L_simem_size_0:
called_computation_lowered:
.L_overlay_start_0:
0x88: {  	s2 =	sld [smem:$0x3FD9]  }
0x89: {  	s3 =	sld [smem:$0x3FFE];
	_ =	sdelay $0x1  }
0x8a: {  	s1 =	srdreg.scid  }
0x8b: {  	s0 =	sand.u32 $0x1, s1  }
0x8c: {  	s17 =	sshll.u32 s0, $0xA;
	s2 =	sadd.s32 s3, s2  }
0x8d: {  	s2 =	sadd.s32 s2, s17  }
0x8e: {  	[smem:$0x3FC6] =	sst s2  }
0x8f: {  	_ = 	snop  }
0x90: {  	s2 =	sld [smem:$0x3FC9]  }
0x91: {  	s18 =	sld [smem:$0x3FD0];
	(tm) =	ssettm $0x1  }
0x92: {  	s4 =	sld [smem:$0x3FFB];
	_ =	sdelay $0x3  }
0x93: {  	_ =	strace s4  }
0x94: {  	s4 =	sld [smem:$0x3FFC];
	_ =	sdelay $0x3  }
0x95: {  	_ =	strace s4  }
0x96: {  	s4 =	sld [smem:$0x3FFD];
	_ =	sdelay $0x3  }
0x97: {  	_ =	strace s4  }
0x98: {  	_ =	strace $0x8FFFFFFF  }
0x99: {  	s19 =	sld [smem:$0x3FDB];
	_ =	sdelay $0x1  }
0x9a: {  	s5 =	simm.s32 $_scs_section_size  }
0x9b: {  	s6 =	simm.s32 $_size__tile_overlayer_lowered;
	s7 =	simm.s32 $_tile_overlayer_lowered  }
0x9c: {  	s22 =	simm.s32 $0x1BFF;
	s21 =	sshll.u32 s7, $0x1;
	s4 =	sadd.s32 s5, s19  }
0x9d: {  	s8 =	simm.s32 $0x0;
	s20 =	sshll.u32 s6, $0x1;
	s6 =	sadd.s32 s21, s4  }
0x9e: {  	[timem:s8], [sflag:s22] =	dma.local [hbm:s6], s20  }
0x9f: {  	_ =	swait.ge [sflag:s22], s20  }
0xa0: {  	s5 =	ssub.s32 $0x0, s20;
	[sflag:s22] =	ssyncset.done $0x0  }
0xa1: {  	[sflag:s22] =	ssyncadd.s32 s5;
	_ =	sdelay $0x1  }
0xa2: {  	s23 =	simm.s32 $0x1B8B  }
0xa3: {  	_ =	swait.ge [sflag:s23], $0x1  }
0xa4: {  	[sflag:s23] =	ssyncset.done $0x0  }
0xa5: {  	s25 =	simm.s32 $0x1B8E;
	s24 =	sld [smem:$0x3FFE];
	[sflag:s23] =	ssyncadd.s32 $0xFFFFFFFF  }
0xa6: {  	s26 =	simm.s32 $execute0_lowered;
	[smem:$0x3FD2] =	sst s25  }
0xa7: {  	s6 =	sshll.u32 s26, $0x1;
	_ =	strace $0x80000046;
	[dreg:$0x1] =	wrdreg $0xFFFFFFFF  }
0xa8: {  	s28 =	simm.s32 $_size_execute0_lowered;
	s4 =	sadd.s32 s4, s6;
	[dreg:$0x0] =	wrdreg $0x0  }
0xa9: {  	s6 =	sshll.u32 s28, $0x1;
	[dreg:$0x2] =	wrdreg s4  }
0xaa: {  	[dreg:$0x3] =	wrdreg s6  }
0xab: {  	[dreg:$0x4] =	wrdreg $0xC0  }
0xac: {  	_ =	task [dreg:s8], $0x5FFFF  }
0xad: {  	[dreg:$0x1] =	wrdreg $0xFFFFFFFF  }
0xae: {  	[dreg:$0x0] =	wrdreg $0x60  }
0xaf: {  	[dreg:$0x2] =	wrdreg s2  }
0xb0: {  	[dreg:$0x3] =	wrdreg s24  }
0xb1: {  	[dreg:$0x4] =	wrdreg s18  }
0xb2: {  	[dreg:$0x5] =	wrdreg $0x9  }
0xb3: {  	_ =	task.clear_ibuf [dreg:s8], $0x6FFFF;
	_ =	strace $0x90000046  }
0xb4: {  	s29 =	simm.s32 $0x9;
	_ =	strace $0x80000048  }
0xb5: {  	_ =	swait.ge [sflag:s29], $0x1  }
0xb6: {  	[sflag:s29] =	ssyncadd.s32 $0xFFFFFFFF  }
0xb7: {  	_ =	strace $0x90000048  }
0xb8: {  	_ =	sfence  }
0xb9: {  	s30 =	sld [smem:$0x0];
	_ =	sdelay $0x2  }
0xba: {  	s31 =	sshll.u32 s1, $0xD;
	s1 =	sshrl.u32 s1, $0x2  }
0xbb: {  	s3 =	sand.u32 $0x4000, s31;
	s1 =	sadd.s32 s1, s30  }
0xbc: {  	s0 =	sor.u32 s3, s0;
	s1 =	sshll.u32 s1, $0x11  }
0xbd: {  	s0 =	sor.u32 s1, s0  }
0xbe: {  	s0 =	sadd.s32 $0x8F2B, s0  }
0xbf: {  	[sflag:s0] =	ssyncadd.remote.s32 $0x1  }
0xc0: {  	_ =	sfence.sel $0xFFFF  }
0xc1: {  	[dreg:$0x0] =	wrdreg $0xFFFFFFFF;
	(pc) =	sbr.abs _section_cstart, $3  }
0xc2: {  	[dreg:$0x1] =	wrdreg $0xFFFFFFFF  }
0xc3: {  	_ =	task.clear_ibuf [dreg:s8], $0x2FFFF;
	_ =	strace $0x9FFFFFFF  }
0xc4: {  	(tm) =	ssettm $0x7FFFFFFF  }
0xc5: {  	_ =	shalt  }
tec
execute0_lowered:
.L_overlay_start_1:
0x0: {  	(tag) =	ssettag $0x1  }
0x1: {  	s9 =	rddreg [dreg:$0x0]  }
0x2: {  	s1 =	srdreg.scid;
	s3 =	rddreg [dreg:$0x1]  }
0x3: {  	s0 =	stileid.u32;
	s11 =	rddreg [dreg:$0x2]  }
0x4: {  	s2 =	simm.s32 $0x0;
	s16 =	simm.s32 $0x4000;
	s17 =	simm.s32 $0x5  }
0x5: {  	s18 =	simm.s32 $0x1;
	s19 =	simm.s32 $0x8000;
	s20 =	simm.s32 $0xC000  }
0x6: {  	s21 =	simm.s32 $0x2;
	s10 =	sand.u32 $0x1, s1;
	s1 =	rddreg [dreg:$0x3]  }
0x7: {  	s22 =	sshll.u32 s0, $0x1;
	[smem:$0x7FF] =	sst s2;
	s3 =	sadd.s32 $0xA00, s3  }
0x8: {  	s15 =	sshll.u32 s0, $0x2;
	s30 =	sshll.u32 s0, $0xC;
	s4 =	sor.u32 s10, s22  }
0x9: {  	s6 =	ssub.s32 $0x2, s10;
	_ =	strace $0x80000047;
	s5 =	smul.u32 $0x3, s4  }
0xa: {  	s10 =	sshll.u32 s10, $0xB;
	s22 =	simm.s32 $0x10000;
	s7 =	smul.u32 $0xC000, s4  }
0xb: {  	s8 =	sshrl.u32 s6, $0x1;
	s12 =	smul.u32 $0x180, s4;
	s14 =	sshll.u32 s4, $0xB  }
0xc: {  	s13 =	ssub.s32 s6, s8;
	s14 =	sor.u32 s14, s15;
	s15 =	sand.u32 $0x30, s15  }
0xd: {  	s23 =	sadd.s32 $0x2, s5;
	s24 =	sor.u32 s12, s7;
	s5 =	sadd.s32 $0x1, s5  }
0xe: {  	s14 =	sand.u32 $0x3830, s14;
	s12 =	smax.u32 s13, $0x1;
	s6 =	sand.u32 $0x1E0380, s24  }
0xf: {  	s25 =	sshll.u32 s5, $0xB;
	s5 =	sshll.u32 s5, $0x4;
	s26 =	sshll.u32 s23, $0xB  }
0x10: {  	s4 =	sshll.u32 s23, $0x4;
	s23 =	simm.s32 $0x3;
	s24 =	simm.s32 $0x4  }
0x11: {  	s5 =	sor.u32 s5, s25;
	s6 =	sshrl.u32 s6, $0x3;
	s7 =	sor.u32 s4, s26  }
0x12: {  	s25 =	simm.s32 $0x0;
	s28 =	sand.u32 $0xFFFC070, s5;
	s4 =	sadd.s32 s9, s6  }
0x13: {  	s29 =	sand.u32 $0xFFFC070, s7;
	s6 =	sadd.s32 s11, s6;
	s5 =	sadd.s32 s9, s28  }
0x14: {  	s7 =	sadd.s32 s9, s29;
	s8 =	sadd.s32 s11, s28;
	s9 =	sadd.s32 s15, s9  }
0x15: {  	s15 =	sor.u32 s10, s30;
	s10 =	sadd.s32 s11, s29;
	s11 =	sadd.s32 s14, s11  }
0x16: {  	s14 =	simm.s32 $0x80;
	s9 =	sadd.s32 $0x30000, s9;
	s31 =	sand.u32 $0x3800, s15  }
0x17: {  	s11 =	sadd.s32 $0x30000, s11;
	s15 =	simm.s32 $0x400;
	s13 =	sor.u32 $0x40, s31  }
.LBB2_1:
0x18: {  	[tilespmem:s16], [sflag:$0x1] =	stream.strided.gather [hbm4b:s4+s14], $0x4000, s15, s14, $0x38;
	[tilespmem:$0x14000] =	vst v63  }
0x19: {  	_ = 	snop  }
0x1a: {  	[tilespmem:s2], [sflag:$0x5] =	stream.linear.gather [hbm4b:s3+s2], $0x4000, $0x38;
	[tilespmem:$0x14000] =	vst v63  }
0x1b: {  	_ =	swait.ge [sflag:s17], $0x4000  }
0x1c: {  	[sflag:s17] =	ssyncset.done $0x0  }
0x1d: {  	[sflag:s17] =	ssyncadd.s32 $0xFFFFC000  }
0x1e: {  	_ =	swait.ge [sflag:s18], $0x4000  }
0x1f: {  	[sflag:s18] =	ssyncset.done $0x0  }
0x20: {  	s26 =	simm.s32 $0x40;
	[sflag:s18] =	ssyncadd.s32 $0xFFFFC000  }
0x21: {  	[tilespmem:s19], [sflag:$0x2] =	stream.strided.gather [hbm4b:s5+s14], $0x4000, s15, s14, $0x38;
	[tilespmem:$0x14000] =	vst v63  }
0x22: {  	v0 =	vld [tilespmem:s26+$0x30]  }
0x23: {  	v1 =	vld [tilespmem:s26+$0xFFFFFFD0]  }
0x24: {  	v2 =	vld [tilespmem:s26+$0xFFFFFFE0]  }
0x25: {  	v3 =	vld [tilespmem:s26+$0xFFFFFFF0]  }
0x26: {  	v4 =	vld [tilespmem:s26+$0x0]  }
0x27: {  	v6 =	vld [tilespmem:s26+$0x10]  }
0x28: {  	v7 =	vld [tilespmem:s26+$0x20]  }
0x29: {  	v8 =	vld [tilespmem:s26+$0xFFFFFFC0]  }
0x2a: {  	v9 =	vld.idx.msk [tilespmem:v0+s16+$0x0], $0xffff  }
0x2b: {  	v10 =	vld.idx.msk [tilespmem:v1+s16+$0x0], $0xffff  }
0x2c: {  	v5 =	vld.idx.msk [tilespmem:v2+s16+$0x0], $0xffff  }
0x2d: {  	v3 =	vld.idx.msk [tilespmem:v3+s16+$0x0], $0xffff  }
0x2e: {  	v0 =	vld.idx.msk [tilespmem:v4+s16+$0x0], $0xffff  }
0x2f: {  	s26 =	simm.s32 $0xC040;
	v1 =	vld.idx.msk [tilespmem:v6+s16+$0x0], $0xffff  }
0x30: {  	v2 =	vld.idx.msk [tilespmem:v7+s16+$0x0], $0xffff;
	[tilespmem:s26+$0x30] =	vst v9  }
0x31: {  	s28 =	simm.s32 $0x0;
	s29 =	simm.s32 $0xC0;
	v4 =	vld.idx.msk [tilespmem:v8+s16+$0x0], $0xffff;
	[tilespmem:s26+$0xFFFFFFD0] =	vst v10  }
.LBB2_2:
0x32: {  	v6 =	vld [tilespmem:s29+$0x30];
	s28 =	sadd.s32 $0x8, s28;
	[tilespmem:s26+$0xFFFFFFE0] =	vst v5  }
0x33: {  	v5 =	vld [tilespmem:s29+$0xFFFFFFD0];
	p0 =	slt.u32 s28, $0x3F8;
	[tilespmem:s26+$0xFFFFFFF0] =	vst v3  }
0x34: {  	v3 =	vld [tilespmem:s29+$0xFFFFFFE0];
	[tilespmem:s26+$0x0] =	vst v0  }
0x35: {  	v0 =	vld [tilespmem:s29+$0xFFFFFFF0];
	[tilespmem:s26+$0x10] =	vst v1  }
0x36: {  	v1 =	vld [tilespmem:s29+$0x0];
	[tilespmem:s26+$0x20] =	vst v2  }
0x37: {  	v2 =	vld [tilespmem:s29+$0x10];
	[tilespmem:s26+$0xFFFFFFC0] =	vst v4  }
0x38: {  	v4 =	vld [tilespmem:s29+$0x20]  }
0x39: {  	v7 =	vld [tilespmem:s29+$0xFFFFFFC0]  }
0x3a: {  	v6 =	vld.idx.msk [tilespmem:v6+s16+$0x0], $0xffff  }
0x3b: {  	v8 =	vld.idx.msk [tilespmem:v5+s16+$0x0], $0xffff  }
0x3c: {  	v5 =	vld.idx.msk [tilespmem:v3+s16+$0x0], $0xffff  }
.Ltmp0:
0x3d: {  	v3 =	vld.idx.msk [tilespmem:v0+s16+$0x0], $0xffff;
	(pc) =	sbr.rel @p0 .LBB2_2-.Ltmp0, $4  }
0x3e: {  	v0 =	vld.idx.msk [tilespmem:v1+s16+$0x0], $0xffff  }
0x3f: {  	s26 =	sadd.s32 $0x80, s26;
	v1 =	vld.idx.msk [tilespmem:v2+s16+$0x0], $0xffff  }
0x40: {  	v2 =	vld.idx.msk [tilespmem:v4+s16+$0x0], $0xffff;
	[tilespmem:s26+$0x30] =	vst v6  }
0x41: {  	s29 =	sadd.s32 $0x80, s29;
	v4 =	vld.idx.msk [tilespmem:v7+s16+$0x0], $0xffff;
	[tilespmem:s26+$0xFFFFFFD0] =	vst v8  }
0x42: {  	[tilespmem:s26+$0xFFFFFFE0] =	vst v5  }
0x43: {  	[tilespmem:s26+$0xFFFFFFF0] =	vst v3  }
0x44: {  	[tilespmem:s26+$0x0] =	vst v0  }
0x45: {  	[tilespmem:s26+$0x10] =	vst v1  }
0x46: {  	[tilespmem:s26+$0x20] =	vst v2  }
0x47: {  	[tilespmem:s26+$0xFFFFFFC0] =	vst v4  }
0x48: {  	[hbm4b:s6+s14] =	stream.strided.scatter [tilespmem:s20], [sflag:$0x3], $0x4000, s15, s14, $0x38;
	[tilespmem:$0x14000] =	vst v63  }
0x49: {  	_ =	swait.ge [sflag:s21], $0x4000  }
0x4a: {  	[sflag:s21] =	ssyncset.done $0x0  }
0x4b: {  	s31 =	simm.s32 $0x40;
	[sflag:s21] =	ssyncadd.s32 $0xFFFFC000  }
0x4c: {  	[tilespmem:s16], [sflag:$0x1] =	stream.strided.gather [hbm4b:s7+s14], $0x4000, s15, s14, $0x38;
	[tilespmem:$0x14000] =	vst v63  }
0x4d: {  	v0 =	vld [tilespmem:s31+$0x30]  }
0x4e: {  	v1 =	vld [tilespmem:s31+$0xFFFFFFD0]  }
0x4f: {  	v2 =	vld [tilespmem:s31+$0xFFFFFFE0]  }
0x50: {  	v3 =	vld [tilespmem:s31+$0xFFFFFFF0]  }
0x51: {  	v4 =	vld [tilespmem:s31+$0x0]  }
0x52: {  	v6 =	vld [tilespmem:s31+$0x10]  }
0x53: {  	v7 =	vld [tilespmem:s31+$0x20]  }
0x54: {  	v8 =	vld [tilespmem:s31+$0xFFFFFFC0]  }
0x55: {  	v9 =	vld.idx.msk [tilespmem:v0+s19+$0x0], $0xffff  }
0x56: {  	v10 =	vld.idx.msk [tilespmem:v1+s19+$0x0], $0xffff  }
0x57: {  	v5 =	vld.idx.msk [tilespmem:v2+s19+$0x0], $0xffff  }
0x58: {  	v3 =	vld.idx.msk [tilespmem:v3+s19+$0x0], $0xffff  }
0x59: {  	v0 =	vld.idx.msk [tilespmem:v4+s19+$0x0], $0xffff  }
0x5a: {  	s26 =	simm.s32 $0x10040;
	v1 =	vld.idx.msk [tilespmem:v6+s19+$0x0], $0xffff  }
0x5b: {  	v2 =	vld.idx.msk [tilespmem:v7+s19+$0x0], $0xffff;
	[tilespmem:s26+$0x30] =	vst v9  }
0x5c: {  	s28 =	simm.s32 $0x0;
	s29 =	simm.s32 $0xC0;
	v4 =	vld.idx.msk [tilespmem:v8+s19+$0x0], $0xffff;
	[tilespmem:s26+$0xFFFFFFD0] =	vst v10  }
.LBB2_4:
0x5d: {  	v6 =	vld [tilespmem:s29+$0x30];
	s28 =	sadd.s32 $0x8, s28;
	[tilespmem:s26+$0xFFFFFFE0] =	vst v5  }
0x5e: {  	v5 =	vld [tilespmem:s29+$0xFFFFFFD0];
	p0 =	slt.u32 s28, $0x3F8;
	[tilespmem:s26+$0xFFFFFFF0] =	vst v3  }
0x5f: {  	v3 =	vld [tilespmem:s29+$0xFFFFFFE0];
	[tilespmem:s26+$0x0] =	vst v0  }
0x60: {  	v0 =	vld [tilespmem:s29+$0xFFFFFFF0];
	[tilespmem:s26+$0x10] =	vst v1  }
0x61: {  	v1 =	vld [tilespmem:s29+$0x0];
	[tilespmem:s26+$0x20] =	vst v2  }
0x62: {  	v2 =	vld [tilespmem:s29+$0x10];
	[tilespmem:s26+$0xFFFFFFC0] =	vst v4  }
0x63: {  	v4 =	vld [tilespmem:s29+$0x20]  }
0x64: {  	v7 =	vld [tilespmem:s29+$0xFFFFFFC0]  }
0x65: {  	v6 =	vld.idx.msk [tilespmem:v6+s19+$0x0], $0xffff  }
0x66: {  	v8 =	vld.idx.msk [tilespmem:v5+s19+$0x0], $0xffff  }
0x67: {  	v5 =	vld.idx.msk [tilespmem:v3+s19+$0x0], $0xffff  }
.Ltmp1:
0x68: {  	v3 =	vld.idx.msk [tilespmem:v0+s19+$0x0], $0xffff;
	(pc) =	sbr.rel @p0 .LBB2_4-.Ltmp1, $4  }
0x69: {  	v0 =	vld.idx.msk [tilespmem:v1+s19+$0x0], $0xffff  }
0x6a: {  	s26 =	sadd.s32 $0x80, s26;
	v1 =	vld.idx.msk [tilespmem:v2+s19+$0x0], $0xffff  }
0x6b: {  	v2 =	vld.idx.msk [tilespmem:v4+s19+$0x0], $0xffff;
	[tilespmem:s26+$0x30] =	vst v6  }
0x6c: {  	s29 =	sadd.s32 $0x80, s29;
	v4 =	vld.idx.msk [tilespmem:v7+s19+$0x0], $0xffff;
	[tilespmem:s26+$0xFFFFFFD0] =	vst v8  }
0x6d: {  	[tilespmem:s26+$0xFFFFFFE0] =	vst v5  }
0x6e: {  	[tilespmem:s26+$0xFFFFFFF0] =	vst v3  }
0x6f: {  	[tilespmem:s26+$0x0] =	vst v0  }
0x70: {  	[tilespmem:s26+$0x10] =	vst v1  }
0x71: {  	[tilespmem:s26+$0x20] =	vst v2  }
0x72: {  	[tilespmem:s26+$0xFFFFFFC0] =	vst v4  }
0x73: {  	[hbm4b:s8+s14] =	stream.strided.scatter [tilespmem:s22], [sflag:$0x4], $0x4000, s15, s14, $0x38;
	[tilespmem:$0x14000] =	vst v63  }
0x74: {  	_ =	swait.ge [sflag:s18], $0x4000  }
0x75: {  	[sflag:s18] =	ssyncset.done $0x0  }
0x76: {  	[sflag:s18] =	ssyncadd.s32 $0xFFFFC000  }
0x77: {  	[tilespmem:s19], [sflag:$0x2] =	stream.strided.gather [hbm4b:s9+s14], $0x4000, s15, s14, $0x38;
	[tilespmem:$0x14000] =	vst v63  }
0x78: {  	_ =	swait.ge [sflag:s23], $0x4000  }
0x79: {  	[sflag:s23] =	ssyncset.done $0x0  }
0x7a: {  	s31 =	simm.s32 $0x40;
	[sflag:s23] =	ssyncadd.s32 $0xFFFFC000  }
0x7b: {  	v0 =	vld [tilespmem:s31+$0x30]  }
0x7c: {  	v1 =	vld [tilespmem:s31+$0xFFFFFFD0]  }
0x7d: {  	v2 =	vld [tilespmem:s31+$0xFFFFFFE0]  }
0x7e: {  	v3 =	vld [tilespmem:s31+$0xFFFFFFF0]  }
0x7f: {  	v4 =	vld [tilespmem:s31+$0x0]  }
0x80: {  	v6 =	vld [tilespmem:s31+$0x10]  }
0x81: {  	v7 =	vld [tilespmem:s31+$0x20]  }
0x82: {  	v8 =	vld [tilespmem:s31+$0xFFFFFFC0]  }
0x83: {  	v9 =	vld.idx.msk [tilespmem:v0+s16+$0x0], $0xffff  }
0x84: {  	v10 =	vld.idx.msk [tilespmem:v1+s16+$0x0], $0xffff  }
0x85: {  	v5 =	vld.idx.msk [tilespmem:v2+s16+$0x0], $0xffff  }
0x86: {  	v3 =	vld.idx.msk [tilespmem:v3+s16+$0x0], $0xffff  }
0x87: {  	v0 =	vld.idx.msk [tilespmem:v4+s16+$0x0], $0xffff  }
0x88: {  	s26 =	simm.s32 $0xC040;
	v1 =	vld.idx.msk [tilespmem:v6+s16+$0x0], $0xffff  }
0x89: {  	v2 =	vld.idx.msk [tilespmem:v7+s16+$0x0], $0xffff;
	[tilespmem:s26+$0x30] =	vst v9  }
0x8a: {  	s28 =	simm.s32 $0x0;
	s29 =	simm.s32 $0xC0;
	v4 =	vld.idx.msk [tilespmem:v8+s16+$0x0], $0xffff;
	[tilespmem:s26+$0xFFFFFFD0] =	vst v10  }
.LBB2_6:
0x8b: {  	v6 =	vld [tilespmem:s29+$0x30];
	s28 =	sadd.s32 $0x8, s28;
	[tilespmem:s26+$0xFFFFFFE0] =	vst v5  }
0x8c: {  	v5 =	vld [tilespmem:s29+$0xFFFFFFD0];
	p0 =	slt.u32 s28, $0x3F8;
	[tilespmem:s26+$0xFFFFFFF0] =	vst v3  }
0x8d: {  	v3 =	vld [tilespmem:s29+$0xFFFFFFE0];
	[tilespmem:s26+$0x0] =	vst v0  }
0x8e: {  	v0 =	vld [tilespmem:s29+$0xFFFFFFF0];
	[tilespmem:s26+$0x10] =	vst v1  }
0x8f: {  	v1 =	vld [tilespmem:s29+$0x0];
	[tilespmem:s26+$0x20] =	vst v2  }
0x90: {  	v2 =	vld [tilespmem:s29+$0x10];
	[tilespmem:s26+$0xFFFFFFC0] =	vst v4  }
0x91: {  	v4 =	vld [tilespmem:s29+$0x20]  }
0x92: {  	v7 =	vld [tilespmem:s29+$0xFFFFFFC0]  }
0x93: {  	v6 =	vld.idx.msk [tilespmem:v6+s16+$0x0], $0xffff  }
0x94: {  	v8 =	vld.idx.msk [tilespmem:v5+s16+$0x0], $0xffff  }
0x95: {  	v5 =	vld.idx.msk [tilespmem:v3+s16+$0x0], $0xffff  }
.Ltmp2:
0x96: {  	v3 =	vld.idx.msk [tilespmem:v0+s16+$0x0], $0xffff;
	(pc) =	sbr.rel @p0 .LBB2_6-.Ltmp2, $4  }
0x97: {  	v0 =	vld.idx.msk [tilespmem:v1+s16+$0x0], $0xffff  }
0x98: {  	s26 =	sadd.s32 $0x80, s26;
	v1 =	vld.idx.msk [tilespmem:v2+s16+$0x0], $0xffff  }
0x99: {  	v2 =	vld.idx.msk [tilespmem:v4+s16+$0x0], $0xffff;
	[tilespmem:s26+$0x30] =	vst v6  }
0x9a: {  	s29 =	sadd.s32 $0x80, s29;
	v4 =	vld.idx.msk [tilespmem:v7+s16+$0x0], $0xffff;
	[tilespmem:s26+$0xFFFFFFD0] =	vst v8  }
0x9b: {  	[tilespmem:s26+$0xFFFFFFE0] =	vst v5  }
0x9c: {  	[tilespmem:s26+$0xFFFFFFF0] =	vst v3  }
0x9d: {  	[tilespmem:s26+$0x0] =	vst v0  }
0x9e: {  	[tilespmem:s26+$0x10] =	vst v1  }
0x9f: {  	[tilespmem:s26+$0x20] =	vst v2  }
0xa0: {  	[tilespmem:s26+$0xFFFFFFC0] =	vst v4  }
0xa1: {  	[hbm4b:s10+s14] =	stream.strided.scatter [tilespmem:s20], [sflag:$0x3], $0x4000, s15, s14, $0x38;
	[tilespmem:$0x14000] =	vst v63  }
0xa2: {  	_ =	swait.ge [sflag:s21], $0x4000  }
0xa3: {  	[sflag:s21] =	ssyncset.done $0x0  }
0xa4: {  	[sflag:s21] =	ssyncadd.s32 $0xFFFFC000  }
0xa5: {  	_ =	swait.ge [sflag:s24], $0x4000  }
0xa6: {  	[sflag:s24] =	ssyncset.done $0x0  }
0xa7: {  	[sflag:s24] =	ssyncadd.s32 $0xFFFFC000  }
0xa8: {  	v0 =	vld [tilespmem:s13+$0x30]  }
0xa9: {  	v1 =	vld [tilespmem:s13+$0xFFFFFFD0]  }
0xaa: {  	v2 =	vld [tilespmem:s13+$0xFFFFFFE0]  }
0xab: {  	v3 =	vld [tilespmem:s13+$0xFFFFFFF0]  }
0xac: {  	v4 =	vld [tilespmem:s13+$0x0]  }
0xad: {  	v6 =	vld [tilespmem:s13+$0x10]  }
0xae: {  	v7 =	vld [tilespmem:s13+$0x20]  }
0xaf: {  	v8 =	vld [tilespmem:s13+$0xFFFFFFC0]  }
0xb0: {  	v9 =	vld.idx.msk [tilespmem:v0+s19+$0x0], $0xffff  }
0xb1: {  	v10 =	vld.idx.msk [tilespmem:v1+s19+$0x0], $0xffff  }
0xb2: {  	v5 =	vld.idx.msk [tilespmem:v2+s19+$0x0], $0xffff  }
0xb3: {  	v3 =	vld.idx.msk [tilespmem:v3+s19+$0x0], $0xffff  }
0xb4: {  	v0 =	vld.idx.msk [tilespmem:v4+s19+$0x0], $0xffff  }
0xb5: {  	s26 =	simm.s32 $0x10040;
	v1 =	vld.idx.msk [tilespmem:v6+s19+$0x0], $0xffff  }
0xb6: {  	v2 =	vld.idx.msk [tilespmem:v7+s19+$0x0], $0xffff;
	[tilespmem:s26+$0x30] =	vst v9  }
0xb7: {  	s28 =	simm.s32 $0x0;
	s29 =	sadd.s32 $0x80, s13;
	v4 =	vld.idx.msk [tilespmem:v8+s19+$0x0], $0xffff;
	[tilespmem:s26+$0xFFFFFFD0] =	vst v10  }
.LBB2_8:
0xb8: {  	v6 =	vld [tilespmem:s29+$0x30];
	s28 =	sadd.s32 $0x8, s28;
	[tilespmem:s26+$0xFFFFFFE0] =	vst v5  }
0xb9: {  	v5 =	vld [tilespmem:s29+$0xFFFFFFD0];
	p0 =	slt.u32 s28, $0x78;
	[tilespmem:s26+$0xFFFFFFF0] =	vst v3  }
0xba: {  	v3 =	vld [tilespmem:s29+$0xFFFFFFE0];
	[tilespmem:s26+$0x0] =	vst v0  }
0xbb: {  	v0 =	vld [tilespmem:s29+$0xFFFFFFF0];
	[tilespmem:s26+$0x10] =	vst v1  }
0xbc: {  	v1 =	vld [tilespmem:s29+$0x0];
	[tilespmem:s26+$0x20] =	vst v2  }
0xbd: {  	v2 =	vld [tilespmem:s29+$0x10];
	[tilespmem:s26+$0xFFFFFFC0] =	vst v4  }
0xbe: {  	v4 =	vld [tilespmem:s29+$0x20]  }
0xbf: {  	v7 =	vld [tilespmem:s29+$0xFFFFFFC0]  }
0xc0: {  	v6 =	vld.idx.msk [tilespmem:v6+s19+$0x0], $0xffff  }
0xc1: {  	v8 =	vld.idx.msk [tilespmem:v5+s19+$0x0], $0xffff  }
0xc2: {  	v5 =	vld.idx.msk [tilespmem:v3+s19+$0x0], $0xffff  }
.Ltmp3:
0xc3: {  	v3 =	vld.idx.msk [tilespmem:v0+s19+$0x0], $0xffff;
	(pc) =	sbr.rel @p0 .LBB2_8-.Ltmp3, $4  }
0xc4: {  	v0 =	vld.idx.msk [tilespmem:v1+s19+$0x0], $0xffff  }
0xc5: {  	s26 =	sadd.s32 $0x80, s26;
	v1 =	vld.idx.msk [tilespmem:v2+s19+$0x0], $0xffff  }
0xc6: {  	v2 =	vld.idx.msk [tilespmem:v4+s19+$0x0], $0xffff;
	[tilespmem:s26+$0x30] =	vst v6  }
0xc7: {  	s29 =	sadd.s32 $0x80, s29;
	v4 =	vld.idx.msk [tilespmem:v7+s19+$0x0], $0xffff;
	[tilespmem:s26+$0xFFFFFFD0] =	vst v8  }
0xc8: {  	[tilespmem:s26+$0xFFFFFFE0] =	vst v5  }
0xc9: {  	[tilespmem:s26+$0xFFFFFFF0] =	vst v3  }
0xca: {  	[tilespmem:s26+$0x0] =	vst v0  }
0xcb: {  	[tilespmem:s26+$0x10] =	vst v1  }
0xcc: {  	[tilespmem:s26+$0x20] =	vst v2  }
0xcd: {  	s25 =	sadd.s32 $0x1, s25;
	[tilespmem:s26+$0xFFFFFFC0] =	vst v4  }
0xce: {  	[hbm4b:s11+s14] =	stream.strided.scatter [tilespmem:s22], [sflag:$0x4], $0x800, s15, s14, $0x38;
	[tilespmem:$0x14000] =	vst v63  }
0xcf: {  	p0 =	sne.s32 s25, s12;
	_ =	swait.ge [sflag:s23], $0x4000  }
.Ltmp4:
0xd0: {  	[sflag:s23] =	ssyncset.done $0x0;
	(pc) =	sbr.rel @p0 .LBB2_1-.Ltmp4, $4  }
0xd1: {  	[sflag:s23] =	ssyncadd.s32 $0xFFFFC000  }
0xd2: {  	_ =	swait.ge [sflag:s24], $0x800  }
0xd3: {  	[sflag:s24] =	ssyncset.done $0x0  }
0xd4: {  	[sflag:s24] =	ssyncadd.s32 $0xFFFFF800  }
0xd5: {  	_ =	sfence.sel $0x180000  }
0xd6: {  	[bflag:$0x0] =	sbarrier.arrive $0xFFFF  }
0xd7: {  	p0 =	sne.s32 s0, $0x0;
	_ =	strace $0x90000047  }
0xd8: {  	s0 =	sadd.s32 @!p0 $0x100000, s1;
	[bflag:$0x2] =	sbarrier.arrive $0xFFFF  }
0xd9: {  	[sflag:s0] =	ssyncadd.tile.s32 @!p0 $0x1;
	_ =	shalt  }
.Lfunc_end2:
_tile_overlayer_lowered:
.L_overlay_start_2:
0xda: {  	(tag) =	ssettag $0x2  }
0xdb: {  	s0 =	rddreg [dreg:$0x0];
	s2 =	stileid.u32  }
0xdc: {  	s1 =	rddreg [dreg:$0x1];
	p0 =	sne.s32 s2, $0x0  }
0xdd: {  	s3 =	rddreg [dreg:$0x2];
	[bflag:$0x3] =	sbarrier.arrive $0xFFFF;
	s2 =	simm.s32 @!p0 $0x1C05  }
0xde: {  	[timem:s3], [sflag:s2] =	dma.local @!p0 [hbm:s0], s1  }
0xdf: {  	s0 =	simm.s32 @!p0 $0x5  }
0xe0: {  	_ =	swait.ge @!p0 [sflag:s0], s1  }
0xe1: {  	s1 =	ssub.s32 @!p0 $0x0, s1;
	[sflag:s0] =	ssyncset.done @!p0 $0x0  }
0xe2: {  	[sflag:s0] =	ssyncadd.s32 @!p0 s1  }
0xe3: {  	[bflag:$0x3] =	sbarrier.arrive $0xFFFF  }
0xe4: {  	_ =	shalt  }

</sc_bundles>
